<compile_context>
chip_gen: v7x
topology: tpu7x:2x2x1
jax: 0.10.2.dev20260603
libtpu: 0.0.44.dev20260713+nightly
codegen_flags: <defaults>
</compile_context>

<pallas_src>
import functools

import jax
import jax.numpy as jnp
from jax import lax
from jax.experimental import pallas as pl
from jax.experimental.pallas import tpu as pltpu
from jax.experimental.pallas import tpu_sc as plsc

NUM_EMB = 1024
IN_DIM = 64
BETA = 0.25
BB = 8


def _idx_kernel(x_ref, emb_ref, idx_ref, loss_ref):
    b = pl.program_id(0)
    emb = emb_ref[...]

    @pl.when(b == 0)
    def _init():
        loss_ref[...] = jnp.zeros_like(loss_ref)

    b2 = jnp.sum(emb * emb, axis=1, keepdims=True)
    emb2 = emb + emb
    iota_col = jax.lax.broadcasted_iota(
        jnp.int32, (NUM_EMB, 1), 0).astype(jnp.float32)

    acc = jnp.zeros((1, 1), jnp.float32)
    for i in range(BB):
        x = x_ref[i]
        a2 = jnp.sum(x * x, axis=0, keepdims=True)
        m2 = jax.lax.dot_general(
            emb2, x, (((1,), (0,)), ((), ())),
            preferred_element_type=jnp.float32)
        d2 = (a2 + b2) - m2

        dmin = jnp.min(d2, axis=0, keepdims=True)
        idx_f = jnp.min(jnp.where(d2 == dmin, iota_col, float(NUM_EMB)),
                        axis=0)
        idx_ref[i] = idx_f.astype(jnp.int32)
        acc = acc + jnp.sum(jnp.maximum(dmin, 0.0), keepdims=True).reshape(1, 1)

    loss_ref[...] += acc

    @pl.when(b == pl.num_programs(0) - 1)
    def _finalize():
        mean_sq = loss_ref[...] * (1.0 / (16 * IN_DIM * 1024))
        loss_ref[...] = mean_sq + BETA * mean_sq


def _xpose_kernel(xqf_ref, xq_ref):
    xq_ref[0] = xqf_ref[...][:, :IN_DIM].T


_SC_INFO = plsc.get_sparse_core_info()
_NC = _SC_INFO.num_cores
_NW = _NC * _SC_INFO.num_subcores


def _gather_kernel(b_per_w, table_hbm, idx_hbm, out_hbm, idx_v, rows_v, sem):
    wid = lax.axis_index("s") * _NC + lax.axis_index("c")
    base = wid * b_per_w
    pltpu.sync_copy(idx_hbm.at[pl.ds(base, b_per_w)], idx_v)
    pltpu.async_copy(table_hbm.at[idx_v], rows_v, sem).wait()
    pltpu.sync_copy(rows_v, out_hbm.at[pl.ds(base, b_per_w)])


@jax.jit
def kernel(x_in, emb):
    B, C, L = x_in.shape
    idxs, vq_loss2 = pl.pallas_call(
        _idx_kernel,
        grid=(B // BB,),
        in_specs=[
            pl.BlockSpec((BB, C, L), lambda b: (b, 0, 0)),
            pl.BlockSpec((NUM_EMB, IN_DIM), lambda b: (0, 0)),
        ],
        out_specs=[
            pl.BlockSpec((BB, L), lambda b: (b, 0)),
            pl.BlockSpec((1, 1), lambda b: (0, 0)),
        ],
        out_shape=[
            jax.ShapeDtypeStruct((B, L), jnp.int32),
            jax.ShapeDtypeStruct((1, 1), jnp.float32),
        ],
    )(x_in, emb)

    n_tok = B * L
    b_per_w = n_tok // _NW
    mesh = plsc.VectorSubcoreMesh(core_axis_name="c", subcore_axis_name="s")
    x_q_flat = pl.kernel(
        functools.partial(_gather_kernel, b_per_w),
        mesh=mesh,
        out_type=jax.ShapeDtypeStruct((n_tok, 128), jnp.float32),
        scratch_types=[
            pltpu.VMEM((b_per_w,), jnp.int32),
            pltpu.VMEM((b_per_w, 128), jnp.float32),
            pltpu.SemaphoreType.DMA,
        ],
    )(jnp.pad(emb, ((0, 0), (0, 128 - C))), idxs.reshape(n_tok))

    x_q = pl.pallas_call(
        _xpose_kernel,
        grid=(B,),
        in_specs=[pl.BlockSpec((L, 128), lambda b: (b, 0))],
        out_specs=pl.BlockSpec((1, C, L), lambda b: (b, 0, 0)),
        out_shape=jax.ShapeDtypeStruct((B, C, L), jnp.float32),
    )(x_q_flat)

    return (x_q, idxs, vq_loss2[0, 0])

# --- scband reference (transcript-rebuilt; emitter-appended) ---
"""Pipeline reference for scband-vq-24893630448037 (READ-ONLY COPY).

The authoritative reference and input builder live on the scoring server;
editing this copy changes nothing except your own understanding.
"""

import jax, jax.numpy as jnp
import numpy as np

NUM_EMB = 1024
IN_DIM = 64
BETA = 0.25


def setup_inputs(seed: int = 0) -> dict:
    key = jax.random.key(seed)
    k1, k2 = jax.random.split(key)
    x_in = jax.random.normal(k1, (16, 64, 1024), dtype=jnp.float32)
    # nn.Embedding default init: N(0, 1)
    emb = jax.random.normal(k2, (NUM_EMB, IN_DIM), dtype=jnp.float32)
    return {"x_in": x_in, "emb": emb}


def _cdist(a, b):
    # Euclidean distance matrix, matching torch.cdist(p=2)
    a2 = jnp.sum(a * a, axis=-1, keepdims=True)          # [N, 1]
    b2 = jnp.sum(b * b, axis=-1)[None, :]                # [1, K]
    d2 = a2 + b2 - 2.0 * (a @ b.T)                       # [N, K]
    return jnp.sqrt(jnp.maximum(d2, 0.0))


def reference(x_in, emb):
    # x_in: [B, C, L]. Torch's unsqueeze(1).transpose(1,-1).squeeze(-1) maps [B,C,L] -> [B,L,C]
    B, C, L = x_in.shape
    x = jnp.transpose(x_in, (0, 2, 1))                   # [B, L, C]
    x_flat = x.reshape(-1, C)                            # [B*L, C]
    dist = _cdist(x_flat, emb)                           # [B*L, K]
    idxs = jnp.argmin(dist, axis=-1).reshape(B, L)       # [B, L]
    x_q = jnp.take(emb, idxs, axis=0)                    # [B, L, C] embedding lookup
    q_loss = jnp.mean((x_q - jax.lax.stop_gradient(x)) ** 2)
    e_loss = jnp.mean((x - jax.lax.stop_gradient(x_q)) ** 2)
    vq_loss = q_loss + BETA * e_loss
    x_q = jnp.transpose(x_q, (0, 2, 1))                  # [B, C, L]
    # straight-through estimator
    x_q = x_in + jax.lax.stop_gradient(x_q - x_in)
    return (x_q, idxs, vq_loss)

if __name__ == "__main__":
    import jax
    _d = setup_inputs()
    print(jax.jit(kernel)(*tuple(_d.values())))

</pallas_src>

<mosaic_0001>
#map = affine_map<(d0, d1) -> (0, 0)>
#map1 = affine_map<(d0, d1) -> (0)>
module attributes {stable_mosaic.version = 14 : i64} {
  func.func @_gather_kernel(%arg0: i32, %arg1: i32, %arg2: memref<1024x128xf32, #tpu.memory_space<hbm>>, %arg3: memref<16384xi32, #tpu.memory_space<hbm>>, %arg4: memref<16384x128xf32, #tpu.memory_space<hbm>>, %arg5: memref<512xi32, #tpu.memory_space<vmem>>, %arg6: memref<512x128xf32, #tpu.memory_space<vmem>>, %arg7: memref<!tpu.dma_semaphore, #tpu.memory_space<semaphore_mem>>) attributes {dimension_semantics = [#tpu.dimension_semantics<core_parallel>, #tpu.dimension_semantics<subcore_parallel>], iteration_bounds = array<i64: 2, 16>, scalar_prefetch = 0 : i64, scratch_operands = 3 : i64, tpu.core_type = #tpu.core_type<sc_vector_subcore>, window_params = [{transform_indices = #map}, {transform_indices = #map1}, {transform_indices = #map}]} {
    %mul3A = arith.constant 2 : i32
    %mul3A_0 = arith.muli %arg1, %mul3A : i32
    %add3A = arith.addi %mul3A_0, %arg0 : i32
    %mul3A_1 = arith.constant 512 : i32
    %mul3A_2 = arith.muli %add3A, %mul3A_1 : i32
    "tpu.region"() ({
      %run_scoped3A = tpu.sem_alloc : memref<!tpu.dma_semaphore, #tpu.memory_space<semaphore_mem>>
      %dma_start3A_7 = tpu.memref_slice %arg3[%mul3A_2] : memref<16384xi32, #tpu.memory_space<hbm>> -> memref<512xi32, #tpu.memory_space<hbm>>
      %dma_start3A_8 = tpu.memref_slice %arg3[%mul3A_2] : memref<16384xi32, #tpu.memory_space<hbm>> -> memref<512xi32, #tpu.memory_space<hbm>>
      tpu.enqueue_dma source(%dma_start3A_8 : memref<512xi32, #tpu.memory_space<hbm>>) target(%arg5 : memref<512xi32, #tpu.memory_space<vmem>>) target_semaphore(%run_scoped3A : memref<!tpu.dma_semaphore, #tpu.memory_space<semaphore_mem>>)
      %dma_wait3A_9 = tpu.memref_slice %arg3[%mul3A_2] : memref<16384xi32, #tpu.memory_space<hbm>> -> memref<512xi32, #tpu.memory_space<hbm>>
      %dma_wait3A_10 = tpu.memref_slice %arg3[%mul3A_2] : memref<16384xi32, #tpu.memory_space<hbm>> -> memref<512xi32, #tpu.memory_space<hbm>>
      tpu.wait_dma2 semaphore(%run_scoped3A : memref<!tpu.dma_semaphore, #tpu.memory_space<semaphore_mem>>) src(%dma_wait3A_10 : memref<512xi32, #tpu.memory_space<hbm>>) dst(%arg5 : memref<512xi32, #tpu.memory_space<vmem>>)
      tpu.yield
    }) : () -> ()
    %dma_start3A = arith.constant 0 : i32
    %dma_start3A_3 = arith.constant 0 : i32
    %dma_start3A_4 = tpu.memref_slice %arg2[%dma_start3A, %dma_start3A_3] : memref<1024x128xf32, #tpu.memory_space<hbm>> -> memref<1024x128xf32, #tpu.memory_space<hbm>>
    tpu.enqueue_indirect_dma source(%dma_start3A_4 : memref<1024x128xf32, #tpu.memory_space<hbm>>) target(%arg6 : memref<512x128xf32, #tpu.memory_space<vmem>>) offsets(%arg5 : memref<512xi32, #tpu.memory_space<vmem>>) semaphore(%arg7 : memref<!tpu.dma_semaphore, #tpu.memory_space<semaphore_mem>>)
    %dma_wait3A = arith.constant 0 : i32
    %dma_wait3A_5 = arith.constant 0 : i32
    %dma_wait3A_6 = tpu.memref_slice %arg2[%dma_wait3A, %dma_wait3A_5] : memref<1024x128xf32, #tpu.memory_space<hbm>> -> memref<1024x128xf32, #tpu.memory_space<hbm>>
    tpu.wait_indirect_dma semaphore(%arg7 : memref<!tpu.dma_semaphore, #tpu.memory_space<semaphore_mem>>) src(%dma_wait3A_6 : memref<1024x128xf32, #tpu.memory_space<hbm>>) dst(%arg6 : memref<512x128xf32, #tpu.memory_space<vmem>>)
    "tpu.region"() ({
      %run_scoped3A = tpu.sem_alloc : memref<!tpu.dma_semaphore, #tpu.memory_space<semaphore_mem>>
      %dma_start3A_7 = arith.constant 0 : i32
      %dma_start3A_8 = tpu.memref_slice %arg4[%mul3A_2, %dma_start3A_7] : memref<16384x128xf32, #tpu.memory_space<hbm>> -> memref<512x128xf32, #tpu.memory_space<hbm>>
      %dma_start3A_9 = arith.constant 0 : i32
      %dma_start3A_10 = tpu.memref_slice %arg4[%mul3A_2, %dma_start3A_9] : memref<16384x128xf32, #tpu.memory_space<hbm>> -> memref<512x128xf32, #tpu.memory_space<hbm>>
      tpu.enqueue_dma source(%arg6 : memref<512x128xf32, #tpu.memory_space<vmem>>) target(%dma_start3A_10 : memref<512x128xf32, #tpu.memory_space<hbm>>) target_semaphore(%run_scoped3A : memref<!tpu.dma_semaphore, #tpu.memory_space<semaphore_mem>>)
      %dma_wait3A_11 = arith.constant 0 : i32
      %dma_wait3A_12 = tpu.memref_slice %arg4[%mul3A_2, %dma_wait3A_11] : memref<16384x128xf32, #tpu.memory_space<hbm>> -> memref<512x128xf32, #tpu.memory_space<hbm>>
      %dma_wait3A_13 = arith.constant 0 : i32
      %dma_wait3A_14 = tpu.memref_slice %arg4[%mul3A_2, %dma_wait3A_13] : memref<16384x128xf32, #tpu.memory_space<hbm>> -> memref<512x128xf32, #tpu.memory_space<hbm>>
      tpu.wait_dma2 semaphore(%run_scoped3A : memref<!tpu.dma_semaphore, #tpu.memory_space<semaphore_mem>>) src(%arg6 : memref<512x128xf32, #tpu.memory_space<vmem>>) dst(%dma_wait3A_14 : memref<512x128xf32, #tpu.memory_space<hbm>>)
      tpu.yield
    }) : () -> ()
    return
  }
}

module attributes {stable_mosaic.version = 14 : i64} {
  func.func @_xpose_kernel(%arg0: i32, %arg1: memref<1024x128xf32, #tpu.memory_space<vmem>>, %arg2: memref<1x64x1024xf32, #tpu.memory_space<vmem>>) attributes {dimension_semantics = [#tpu.dimension_semantics<arbitrary>], iteration_bounds = array<i64: 16>, scalar_prefetch = 0 : i64, scratch_operands = 0 : i64, tpu.core_type = #tpu.core_type<tc>, window_params = [{transform_indices = @transform_0, window_bounds = array<i64: 1024, 128>}, {transform_indices = @transform_1, window_bounds = array<i64: 1, 64, 1024>}]} {
    %get3A = arith.constant 0 : index
    %get3A_0 = arith.constant 0 : index
    %get3A_1 = vector.load %arg1[%get3A, %get3A_0] : memref<1024x128xf32, #tpu.memory_space<vmem>>, vector<1024x128xf32>
    %slice3A = vector.extract_strided_slice %get3A_1 {offsets = [0, 0], sizes = [1024, 64], strides = [1, 1]} : vector<1024x128xf32> to vector<1024x64xf32>
    %transpose3A = tpu.transpose %slice3A, [1, 0] : vector<1024x64xf32> -> vector<64x1024xf32>
    %swap3A = arith.constant 0 : index
    %swap3A_2 = arith.constant 0 : index
    %swap3A_3 = arith.constant 0 : index
    %swap3A_4 = vector.load %arg2[%swap3A, %swap3A_2, %swap3A_3] : memref<1x64x1024xf32, #tpu.memory_space<vmem>>, vector<1x64x1024xf32>
    %swap3A_5 = vector.shape_cast %swap3A_4 : vector<1x64x1024xf32> to vector<64x1024xf32>
    %swap3A_6 = vector.shape_cast %transpose3A : vector<64x1024xf32> to vector<1x64x1024xf32>
    tpu.vector_store %arg2[%swap3A, %swap3A_2, %swap3A_3], %swap3A_6 {strides = array<i32>} : memref<1x64x1024xf32, #tpu.memory_space<vmem>>, vector<1x64x1024xf32>,
    return
  }
  func.func @transform_0(%arg0: i32) -> (i32, i32) {
    %c0_i32 = arith.constant 0 : i32
    %c0_i32_0 = arith.constant 0 : i32
    return %arg0, %c0_i32 : i32, i32
  }
  func.func @transform_1(%arg0: i32) -> (i32, i32, i32) {
    %c0_i32 = arith.constant 0 : i32
    %c0_i32_0 = arith.constant 0 : i32
    %c0_i32_1 = arith.constant 0 : i32
    return %arg0, %c0_i32, %c0_i32_0 : i32, i32, i32
  }
}

module attributes {stable_mosaic.version = 14 : i64} {
  func.func @_idx_kernel(%arg0: i32, %arg1: memref<8x64x1024xf32, #tpu.memory_space<vmem>>, %arg2: memref<1024x64xf32, #tpu.memory_space<vmem>>, %arg3: memref<8x1024xi32, #tpu.memory_space<vmem>>, %arg4: memref<1x1xf32, #tpu.memory_space<vmem>>) attributes {dimension_semantics = [#tpu.dimension_semantics<arbitrary>], iteration_bounds = array<i64: 2>, scalar_prefetch = 0 : i64, scratch_operands = 0 : i64, tpu.core_type = #tpu.core_type<tc>, window_params = [{transform_indices = @transform_0, window_bounds = array<i64: 8, 64, 1024>}, {pipeline_mode = #tpu.pipeline_mode<synchronous>, transform_indices = @transform_1, window_bounds = array<i64: 1024, 64>}, {transform_indices = @transform_2, window_bounds = array<i64: 8, 1024>}, {pipeline_mode = #tpu.pipeline_mode<synchronous>, transform_indices = @transform_3, window_bounds = array<i64: 1, 1>}]} {
    %get3A = arith.constant 0 : index
    %get3A_0 = arith.constant 0 : index
    %get3A_1 = vector.load %arg2[%get3A, %get3A_0] : memref<1024x64xf32, #tpu.memory_space<vmem>>, vector<1024x64xf32>
    %eq3A = arith.constant 0 : i32
    %eq3A_2 = arith.cmpi eq, %arg0, %eq3A : i32
    %convert_element_type3A = arith.extui %eq3A_2 : i1 to i32
    %cond3A = arith.constant 0 : i32
    %cond3A_3 = arith.cmpi ne, %convert_element_type3A, %cond3A : i32
    scf.if %cond3A_3 {
      %broadcast_in_dim3A_357 = arith.constant 0.000000e+00 : f32
      %broadcast_in_dim3A_358 = vector.broadcast %broadcast_in_dim3A_357 : f32 to vector<1x1xf32>
      %swap3A_359 = arith.constant 0 : index
      %swap3A_360 = arith.constant 0 : index
      %swap3A_361 = vector.load %arg4[%swap3A_359, %swap3A_360] : memref<1x1xf32, #tpu.memory_space<vmem>>, vector<1x1xf32>
      tpu.vector_store %arg4[%swap3A_359, %swap3A_360], %broadcast_in_dim3A_358 {strides = array<i32>} : memref<1x1xf32, #tpu.memory_space<vmem>>, vector<1x1xf32>,
    } else {
    }
    %mul3A = arith.mulf %get3A_1, %get3A_1 : vector<1024x64xf32>
    %reduce_sum3A = arith.constant dense<0.000000e+00> : vector<1024xf32>
    %reduce_sum3A_4 = vector.multi_reduction <add>, %mul3A, %reduce_sum3A [1] : vector<1024x64xf32> to vector<1024xf32>
    %broadcast_in_dim3A = vector.shape_cast %reduce_sum3A_4 : vector<1024xf32> to vector<1024x1xf32>
    %add3A = arith.addf %get3A_1, %get3A_1 : vector<1024x64xf32>
    %iota3A = tpu.iota {dimensions = array<i32: 0>} : vector<1024x1xi32>
    %convert_element_type3A_5 = arith.sitofp %iota3A : vector<1024x1xi32> to vector<1024x1xf32>
    %broadcast_in_dim3A_6 = arith.constant 0.000000e+00 : f32
    %broadcast_in_dim3A_7 = vector.broadcast %broadcast_in_dim3A_6 : f32 to vector<1x1xf32>
    %get3A_8 = arith.constant 0 : index
    %get3A_9 = arith.constant 0 : index
    %get3A_10 = arith.constant 0 : index
    %get3A_11 = vector.load %arg1[%get3A_8, %get3A_9, %get3A_10] : memref<8x64x1024xf32, #tpu.memory_space<vmem>>, vector<1x64x1024xf32>
    %get3A_12 = vector.shape_cast %get3A_11 : vector<1x64x1024xf32> to vector<64x1024xf32>
    %mul3A_13 = arith.mulf %get3A_12, %get3A_12 : vector<64x1024xf32>
    %reduce_sum3A_14 = arith.constant dense<0.000000e+00> : vector<1024xf32>
    %reduce_sum3A_15 = vector.multi_reduction <add>, %mul3A_13, %reduce_sum3A_14 [0] : vector<64x1024xf32> to vector<1024xf32>
    %broadcast_in_dim3A_16 = vector.shape_cast %reduce_sum3A_15 : vector<1024xf32> to vector<1x1024xf32>
    %dot_general3A = arith.constant dense<0.000000e+00> : vector<1024x1024xf32>
    %dot_general3A_17 = tpu.matmul %add3A, %get3A_12, %dot_general3A {dimension_numbers = #tpu.dot_dimension_numbers<[1], [0], [0], [1], [0, 0, 1, 1], [], []>, transpose_lhs_hint = false} : vector<1024x64xf32>, vector<64x1024xf32>, vector<1024x1024xf32> -> vector<1024x1024xf32>
    %add3A_18 = vector.broadcast %broadcast_in_dim3A_16 : vector<1x1024xf32> to vector<1024x1024xf32>
    %add3A_19 = vector.broadcast %broadcast_in_dim3A : vector<1024x1xf32> to vector<1024x1024xf32>
    %add3A_20 = arith.addf %add3A_18, %add3A_19 : vector<1024x1024xf32>
    %sub3A = arith.subf %add3A_20, %dot_general3A_17 : vector<1024x1024xf32>
    %reduce_min3A = arith.constant dense<0x7F800000> : vector<1024xf32>
    %reduce_min3A_21 = vector.multi_reduction <minimumf>, %sub3A, %reduce_min3A [0] : vector<1024x1024xf32> to vector<1024xf32>
    %broadcast_in_dim3A_22 = vector.shape_cast %reduce_min3A_21 : vector<1024xf32> to vector<1x1024xf32>
    %eq3A_23 = vector.broadcast %broadcast_in_dim3A_22 : vector<1x1024xf32> to vector<1024x1024xf32>
    %eq3A_24 = arith.cmpf oeq, %sub3A, %eq3A_23 : vector<1024x1024xf32>
    %jit3A = arith.constant 1.024000e+03 : f32
    %broadcast_in_dim3A_25 = vector.shape_cast %convert_element_type3A_5 : vector<1024x1xf32> to vector<1024x1xf32>
    %broadcast_in_dim3A_26 = vector.broadcast %broadcast_in_dim3A_25 : vector<1024x1xf32> to vector<1024x1024xf32>
    %broadcast_in_dim3A_27 = vector.broadcast %jit3A : f32 to vector<1024x1024xf32>
    %select_n3A = arith.select %eq3A_24, %broadcast_in_dim3A_26, %broadcast_in_dim3A_27 : vector<1024x1024xi1>, vector<1024x1024xf32>
    %reduce_min3A_28 = arith.constant dense<0x7F800000> : vector<1024xf32>
    %reduce_min3A_29 = vector.multi_reduction <minimumf>, %select_n3A, %reduce_min3A_28 [0] : vector<1024x1024xf32> to vector<1024xf32>
    %convert_element_type3A_30 = arith.fptosi %reduce_min3A_29 : vector<1024xf32> to vector<1024xi32>
    %swap3A = arith.constant 0 : index
    %swap3A_31 = arith.constant 0 : index
    %swap3A_32 = vector.load %arg3[%swap3A, %swap3A_31] : memref<8x1024xi32, #tpu.memory_space<vmem>>, vector<1x1024xi32>
    %swap3A_33 = vector.shape_cast %swap3A_32 : vector<1x1024xi32> to vector<1024xi32>
    %swap3A_34 = vector.shape_cast %convert_element_type3A_30 : vector<1024xi32> to vector<1x1024xi32>
    tpu.vector_store %arg3[%swap3A, %swap3A_31], %swap3A_34 {strides = array<i32>} : memref<8x1024xi32, #tpu.memory_space<vmem>>, vector<1x1024xi32>,
    %max3A = arith.constant 0.000000e+00 : f32
    %max3A_35 = vector.broadcast %max3A : f32 to vector<1x1024xf32>
    %max3A_36 = arith.maximumf %broadcast_in_dim3A_22, %max3A_35 : vector<1x1024xf32>
    %reduce_sum3A_37 = vector.shape_cast %max3A_36 : vector<1x1024xf32> to vector<1x1x1024xf32>
    %reduce_sum3A_38 = arith.constant dense<0.000000e+00> : vector<1xf32>
    %reduce_sum3A_39 = vector.multi_reduction <add>, %reduce_sum3A_37, %reduce_sum3A_38 [1, 2] : vector<1x1x1024xf32> to vector<1xf32>
    %reduce_sum3A_40 = vector.shape_cast %reduce_sum3A_39 : vector<1xf32> to vector<1x1x1xf32>
    %reduce_sum3A_41 = vector.extract %reduce_sum3A_40[0, 0, 0] : f32 from vector<1x1x1xf32>
    %broadcast_in_dim3A_42 = vector.broadcast %reduce_sum3A_41 : f32 to vector<1x1xf32>
    %add3A_43 = arith.addf %broadcast_in_dim3A_7, %broadcast_in_dim3A_42 : vector<1x1xf32>
    %get3A_44 = arith.constant 1 : index
    %get3A_45 = arith.constant 0 : index
    %get3A_46 = arith.constant 0 : index
    %get3A_47 = vector.load %arg1[%get3A_44, %get3A_45, %get3A_46] : memref<8x64x1024xf32, #tpu.memory_space<vmem>>, vector<1x64x1024xf32>
    %get3A_48 = vector.shape_cast %get3A_47 : vector<1x64x1024xf32> to vector<64x1024xf32>
    %mul3A_49 = arith.mulf %get3A_48, %get3A_48 : vector<64x1024xf32>
    %reduce_sum3A_50 = arith.constant dense<0.000000e+00> : vector<1024xf32>
    %reduce_sum3A_51 = vector.multi_reduction <add>, %mul3A_49, %reduce_sum3A_50 [0] : vector<64x1024xf32> to vector<1024xf32>
    %broadcast_in_dim3A_52 = vector.shape_cast %reduce_sum3A_51 : vector<1024xf32> to vector<1x1024xf32>
    %dot_general3A_53 = arith.constant dense<0.000000e+00> : vector<1024x1024xf32>
    %dot_general3A_54 = tpu.matmul %add3A, %get3A_48, %dot_general3A_53 {dimension_numbers = #tpu.dot_dimension_numbers<[1], [0], [0], [1], [0, 0, 1, 1], [], []>, transpose_lhs_hint = false} : vector<1024x64xf32>, vector<64x1024xf32>, vector<1024x1024xf32> -> vector<1024x1024xf32>
    %add3A_55 = vector.broadcast %broadcast_in_dim3A_52 : vector<1x1024xf32> to vector<1024x1024xf32>
    %add3A_56 = vector.broadcast %broadcast_in_dim3A : vector<1024x1xf32> to vector<1024x1024xf32>
    %add3A_57 = arith.addf %add3A_55, %add3A_56 : vector<1024x1024xf32>
    %sub3A_58 = arith.subf %add3A_57, %dot_general3A_54 : vector<1024x1024xf32>
    %reduce_min3A_59 = arith.constant dense<0x7F800000> : vector<1024xf32>
    %reduce_min3A_60 = vector.multi_reduction <minimumf>, %sub3A_58, %reduce_min3A_59 [0] : vector<1024x1024xf32> to vector<1024xf32>
    %broadcast_in_dim3A_61 = vector.shape_cast %reduce_min3A_60 : vector<1024xf32> to vector<1x1024xf32>
    %eq3A_62 = vector.broadcast %broadcast_in_dim3A_61 : vector<1x1024xf32> to vector<1024x1024xf32>
    %eq3A_63 = arith.cmpf oeq, %sub3A_58, %eq3A_62 : vector<1024x1024xf32>
    %jit3A_64 = arith.constant 1.024000e+03 : f32
    %broadcast_in_dim3A_65 = vector.shape_cast %convert_element_type3A_5 : vector<1024x1xf32> to vector<1024x1xf32>
    %broadcast_in_dim3A_66 = vector.broadcast %broadcast_in_dim3A_65 : vector<1024x1xf32> to vector<1024x1024xf32>
    %broadcast_in_dim3A_67 = vector.broadcast %jit3A_64 : f32 to vector<1024x1024xf32>
    %select_n3A_68 = arith.select %eq3A_63, %broadcast_in_dim3A_66, %broadcast_in_dim3A_67 : vector<1024x1024xi1>, vector<1024x1024xf32>
    %reduce_min3A_69 = arith.constant dense<0x7F800000> : vector<1024xf32>
    %reduce_min3A_70 = vector.multi_reduction <minimumf>, %select_n3A_68, %reduce_min3A_69 [0] : vector<1024x1024xf32> to vector<1024xf32>
    %convert_element_type3A_71 = arith.fptosi %reduce_min3A_70 : vector<1024xf32> to vector<1024xi32>
    %swap3A_72 = arith.constant 1 : index
    %swap3A_73 = arith.constant 0 : index
    %swap3A_74 = vector.load %arg3[%swap3A_72, %swap3A_73] : memref<8x1024xi32, #tpu.memory_space<vmem>>, vector<1x1024xi32>
    %swap3A_75 = vector.shape_cast %swap3A_74 : vector<1x1024xi32> to vector<1024xi32>
    %swap3A_76 = vector.shape_cast %convert_element_type3A_71 : vector<1024xi32> to vector<1x1024xi32>
    tpu.vector_store %arg3[%swap3A_72, %swap3A_73], %swap3A_76 {strides = array<i32>} : memref<8x1024xi32, #tpu.memory_space<vmem>>, vector<1x1024xi32>,
    %max3A_77 = arith.constant 0.000000e+00 : f32
    %max3A_78 = vector.broadcast %max3A_77 : f32 to vector<1x1024xf32>
    %max3A_79 = arith.maximumf %broadcast_in_dim3A_61, %max3A_78 : vector<1x1024xf32>
    %reduce_sum3A_80 = vector.shape_cast %max3A_79 : vector<1x1024xf32> to vector<1x1x1024xf32>
    %reduce_sum3A_81 = arith.constant dense<0.000000e+00> : vector<1xf32>
    %reduce_sum3A_82 = vector.multi_reduction <add>, %reduce_sum3A_80, %reduce_sum3A_81 [1, 2] : vector<1x1x1024xf32> to vector<1xf32>
    %reduce_sum3A_83 = vector.shape_cast %reduce_sum3A_82 : vector<1xf32> to vector<1x1x1xf32>
    %reduce_sum3A_84 = vector.extract %reduce_sum3A_83[0, 0, 0] : f32 from vector<1x1x1xf32>
    %broadcast_in_dim3A_85 = vector.broadcast %reduce_sum3A_84 : f32 to vector<1x1xf32>
    %add3A_86 = arith.addf %add3A_43, %broadcast_in_dim3A_85 : vector<1x1xf32>
    %get3A_87 = arith.constant 2 : index
    %get3A_88 = arith.constant 0 : index
    %get3A_89 = arith.constant 0 : index
    %get3A_90 = vector.load %arg1[%get3A_87, %get3A_88, %get3A_89] : memref<8x64x1024xf32, #tpu.memory_space<vmem>>, vector<1x64x1024xf32>
    %get3A_91 = vector.shape_cast %get3A_90 : vector<1x64x1024xf32> to vector<64x1024xf32>
    %mul3A_92 = arith.mulf %get3A_91, %get3A_91 : vector<64x1024xf32>
    %reduce_sum3A_93 = arith.constant dense<0.000000e+00> : vector<1024xf32>
    %reduce_sum3A_94 = vector.multi_reduction <add>, %mul3A_92, %reduce_sum3A_93 [0] : vector<64x1024xf32> to vector<1024xf32>
    %broadcast_in_dim3A_95 = vector.shape_cast %reduce_sum3A_94 : vector<1024xf32> to vector<1x1024xf32>
    %dot_general3A_96 = arith.constant dense<0.000000e+00> : vector<1024x1024xf32>
    %dot_general3A_97 = tpu.matmul %add3A, %get3A_91, %dot_general3A_96 {dimension_numbers = #tpu.dot_dimension_numbers<[1], [0], [0], [1], [0, 0, 1, 1], [], []>, transpose_lhs_hint = false} : vector<1024x64xf32>, vector<64x1024xf32>, vector<1024x1024xf32> -> vector<1024x1024xf32>
    %add3A_98 = vector.broadcast %broadcast_in_dim3A_95 : vector<1x1024xf32> to vector<1024x1024xf32>
    %add3A_99 = vector.broadcast %broadcast_in_dim3A : vector<1024x1xf32> to vector<1024x1024xf32>
    %add3A_100 = arith.addf %add3A_98, %add3A_99 : vector<1024x1024xf32>
    %sub3A_101 = arith.subf %add3A_100, %dot_general3A_97 : vector<1024x1024xf32>
    %reduce_min3A_102 = arith.constant dense<0x7F800000> : vector<1024xf32>
    %reduce_min3A_103 = vector.multi_reduction <minimumf>, %sub3A_101, %reduce_min3A_102 [0] : vector<1024x1024xf32> to vector<1024xf32>
    %broadcast_in_dim3A_104 = vector.shape_cast %reduce_min3A_103 : vector<1024xf32> to vector<1x1024xf32>
    %eq3A_105 = vector.broadcast %broadcast_in_dim3A_104 : vector<1x1024xf32> to vector<1024x1024xf32>
    %eq3A_106 = arith.cmpf oeq, %sub3A_101, %eq3A_105 : vector<1024x1024xf32>
    %jit3A_107 = arith.constant 1.024000e+03 : f32
    %broadcast_in_dim3A_108 = vector.shape_cast %convert_element_type3A_5 : vector<1024x1xf32> to vector<1024x1xf32>
    %broadcast_in_dim3A_109 = vector.broadcast %broadcast_in_dim3A_108 : vector<1024x1xf32> to vector<1024x1024xf32>
    %broadcast_in_dim3A_110 = vector.broadcast %jit3A_107 : f32 to vector<1024x1024xf32>
    %select_n3A_111 = arith.select %eq3A_106, %broadcast_in_dim3A_109, %broadcast_in_dim3A_110 : vector<1024x1024xi1>, vector<1024x1024xf32>
    %reduce_min3A_112 = arith.constant dense<0x7F800000> : vector<1024xf32>
    %reduce_min3A_113 = vector.multi_reduction <minimumf>, %select_n3A_111, %reduce_min3A_112 [0] : vector<1024x1024xf32> to vector<1024xf32>
    %convert_element_type3A_114 = arith.fptosi %reduce_min3A_113 : vector<1024xf32> to vector<1024xi32>
    %swap3A_115 = arith.constant 2 : index
    %swap3A_116 = arith.constant 0 : index
    %swap3A_117 = vector.load %arg3[%swap3A_115, %swap3A_116] : memref<8x1024xi32, #tpu.memory_space<vmem>>, vector<1x1024xi32>
    %swap3A_118 = vector.shape_cast %swap3A_117 : vector<1x1024xi32> to vector<1024xi32>
    %swap3A_119 = vector.shape_cast %convert_element_type3A_114 : vector<1024xi32> to vector<1x1024xi32>
    tpu.vector_store %arg3[%swap3A_115, %swap3A_116], %swap3A_119 {strides = array<i32>} : memref<8x1024xi32, #tpu.memory_space<vmem>>, vector<1x1024xi32>,
    %max3A_120 = arith.constant 0.000000e+00 : f32
    %max3A_121 = vector.broadcast %max3A_120 : f32 to vector<1x1024xf32>
    %max3A_122 = arith.maximumf %broadcast_in_dim3A_104, %max3A_121 : vector<1x1024xf32>
    %reduce_sum3A_123 = vector.shape_cast %max3A_122 : vector<1x1024xf32> to vector<1x1x1024xf32>
    %reduce_sum3A_124 = arith.constant dense<0.000000e+00> : vector<1xf32>
    %reduce_sum3A_125 = vector.multi_reduction <add>, %reduce_sum3A_123, %reduce_sum3A_124 [1, 2] : vector<1x1x1024xf32> to vector<1xf32>
    %reduce_sum3A_126 = vector.shape_cast %reduce_sum3A_125 : vector<1xf32> to vector<1x1x1xf32>
    %reduce_sum3A_127 = vector.extract %reduce_sum3A_126[0, 0, 0] : f32 from vector<1x1x1xf32>
    %broadcast_in_dim3A_128 = vector.broadcast %reduce_sum3A_127 : f32 to vector<1x1xf32>
    %add3A_129 = arith.addf %add3A_86, %broadcast_in_dim3A_128 : vector<1x1xf32>
    %get3A_130 = arith.constant 3 : index
    %get3A_131 = arith.constant 0 : index
    %get3A_132 = arith.constant 0 : index
    %get3A_133 = vector.load %arg1[%get3A_130, %get3A_131, %get3A_132] : memref<8x64x1024xf32, #tpu.memory_space<vmem>>, vector<1x64x1024xf32>
    %get3A_134 = vector.shape_cast %get3A_133 : vector<1x64x1024xf32> to vector<64x1024xf32>
    %mul3A_135 = arith.mulf %get3A_134, %get3A_134 : vector<64x1024xf32>
    %reduce_sum3A_136 = arith.constant dense<0.000000e+00> : vector<1024xf32>
    %reduce_sum3A_137 = vector.multi_reduction <add>, %mul3A_135, %reduce_sum3A_136 [0] : vector<64x1024xf32> to vector<1024xf32>
    %broadcast_in_dim3A_138 = vector.shape_cast %reduce_sum3A_137 : vector<1024xf32> to vector<1x1024xf32>
    %dot_general3A_139 = arith.constant dense<0.000000e+00> : vector<1024x1024xf32>
    %dot_general3A_140 = tpu.matmul %add3A, %get3A_134, %dot_general3A_139 {dimension_numbers = #tpu.dot_dimension_numbers<[1], [0], [0], [1], [0, 0, 1, 1], [], []>, transpose_lhs_hint = false} : vector<1024x64xf32>, vector<64x1024xf32>, vector<1024x1024xf32> -> vector<1024x1024xf32>
    %add3A_141 = vector.broadcast %broadcast_in_dim3A_138 : vector<1x1024xf32> to vector<1024x1024xf32>
    %add3A_142 = vector.broadcast %broadcast_in_dim3A : vector<1024x1xf32> to vector<1024x1024xf32>
    %add3A_143 = arith.addf %add3A_141, %add3A_142 : vector<1024x1024xf32>
    %sub3A_144 = arith.subf %add3A_143, %dot_general3A_140 : vector<1024x1024xf32>
    %reduce_min3A_145 = arith.constant dense<0x7F800000> : vector<1024xf32>
    %reduce_min3A_146 = vector.multi_reduction <minimumf>, %sub3A_144, %reduce_min3A_145 [0] : vector<1024x1024xf32> to vector<1024xf32>
    %broadcast_in_dim3A_147 = vector.shape_cast %reduce_min3A_146 : vector<1024xf32> to vector<1x1024xf32>
    %eq3A_148 = vector.broadcast %broadcast_in_dim3A_147 : vector<1x1024xf32> to vector<1024x1024xf32>
    %eq3A_149 = arith.cmpf oeq, %sub3A_144, %eq3A_148 : vector<1024x1024xf32>
    %jit3A_150 = arith.constant 1.024000e+03 : f32
    %broadcast_in_dim3A_151 = vector.shape_cast %convert_element_type3A_5 : vector<1024x1xf32> to vector<1024x1xf32>
    %broadcast_in_dim3A_152 = vector.broadcast %broadcast_in_dim3A_151 : vector<1024x1xf32> to vector<1024x1024xf32>
    %broadcast_in_dim3A_153 = vector.broadcast %jit3A_150 : f32 to vector<1024x1024xf32>
    %select_n3A_154 = arith.select %eq3A_149, %broadcast_in_dim3A_152, %broadcast_in_dim3A_153 : vector<1024x1024xi1>, vector<1024x1024xf32>
    %reduce_min3A_155 = arith.constant dense<0x7F800000> : vector<1024xf32>
    %reduce_min3A_156 = vector.multi_reduction <minimumf>, %select_n3A_154, %reduce_min3A_155 [0] : vector<1024x1024xf32> to vector<1024xf32>
    %convert_element_type3A_157 = arith.fptosi %reduce_min3A_156 : vector<1024xf32> to vector<1024xi32>
    %swap3A_158 = arith.constant 3 : index
    %swap3A_159 = arith.constant 0 : index
    %swap3A_160 = vector.load %arg3[%swap3A_158, %swap3A_159] : memref<8x1024xi32, #tpu.memory_space<vmem>>, vector<1x1024xi32>
    %swap3A_161 = vector.shape_cast %swap3A_160 : vector<1x1024xi32> to vector<1024xi32>
    %swap3A_162 = vector.shape_cast %convert_element_type3A_157 : vector<1024xi32> to vector<1x1024xi32>
    tpu.vector_store %arg3[%swap3A_158, %swap3A_159], %swap3A_162 {strides = array<i32>} : memref<8x1024xi32, #tpu.memory_space<vmem>>, vector<1x1024xi32>,
    %max3A_163 = arith.constant 0.000000e+00 : f32
    %max3A_164 = vector.broadcast %max3A_163 : f32 to vector<1x1024xf32>
    %max3A_165 = arith.maximumf %broadcast_in_dim3A_147, %max3A_164 : vector<1x1024xf32>
    %reduce_sum3A_166 = vector.shape_cast %max3A_165 : vector<1x1024xf32> to vector<1x1x1024xf32>
    %reduce_sum3A_167 = arith.constant dense<0.000000e+00> : vector<1xf32>
    %reduce_sum3A_168 = vector.multi_reduction <add>, %reduce_sum3A_166, %reduce_sum3A_167 [1, 2] : vector<1x1x1024xf32> to vector<1xf32>
    %reduce_sum3A_169 = vector.shape_cast %reduce_sum3A_168 : vector<1xf32> to vector<1x1x1xf32>
    %reduce_sum3A_170 = vector.extract %reduce_sum3A_169[0, 0, 0] : f32 from vector<1x1x1xf32>
    %broadcast_in_dim3A_171 = vector.broadcast %reduce_sum3A_170 : f32 to vector<1x1xf32>
    %add3A_172 = arith.addf %add3A_129, %broadcast_in_dim3A_171 : vector<1x1xf32>
    %get3A_173 = arith.constant 4 : index
    %get3A_174 = arith.constant 0 : index
    %get3A_175 = arith.constant 0 : index
    %get3A_176 = vector.load %arg1[%get3A_173, %get3A_174, %get3A_175] : memref<8x64x1024xf32, #tpu.memory_space<vmem>>, vector<1x64x1024xf32>
    %get3A_177 = vector.shape_cast %get3A_176 : vector<1x64x1024xf32> to vector<64x1024xf32>
    %mul3A_178 = arith.mulf %get3A_177, %get3A_177 : vector<64x1024xf32>
    %reduce_sum3A_179 = arith.constant dense<0.000000e+00> : vector<1024xf32>
    %reduce_sum3A_180 = vector.multi_reduction <add>, %mul3A_178, %reduce_sum3A_179 [0] : vector<64x1024xf32> to vector<1024xf32>
    %broadcast_in_dim3A_181 = vector.shape_cast %reduce_sum3A_180 : vector<1024xf32> to vector<1x1024xf32>
    %dot_general3A_182 = arith.constant dense<0.000000e+00> : vector<1024x1024xf32>
    %dot_general3A_183 = tpu.matmul %add3A, %get3A_177, %dot_general3A_182 {dimension_numbers = #tpu.dot_dimension_numbers<[1], [0], [0], [1], [0, 0, 1, 1], [], []>, transpose_lhs_hint = false} : vector<1024x64xf32>, vector<64x1024xf32>, vector<1024x1024xf32> -> vector<1024x1024xf32>
    %add3A_184 = vector.broadcast %broadcast_in_dim3A_181 : vector<1x1024xf32> to vector<1024x1024xf32>
    %add3A_185 = vector.broadcast %broadcast_in_dim3A : vector<1024x1xf32> to vector<1024x1024xf32>
    %add3A_186 = arith.addf %add3A_184, %add3A_185 : vector<1024x1024xf32>
    %sub3A_187 = arith.subf %add3A_186, %dot_general3A_183 : vector<1024x1024xf32>
    %reduce_min3A_188 = arith.constant dense<0x7F800000> : vector<1024xf32>
    %reduce_min3A_189 = vector.multi_reduction <minimumf>, %sub3A_187, %reduce_min3A_188 [0] : vector<1024x1024xf32> to vector<1024xf32>
    %broadcast_in_dim3A_190 = vector.shape_cast %reduce_min3A_189 : vector<1024xf32> to vector<1x1024xf32>
    %eq3A_191 = vector.broadcast %broadcast_in_dim3A_190 : vector<1x1024xf32> to vector<1024x1024xf32>
    %eq3A_192 = arith.cmpf oeq, %sub3A_187, %eq3A_191 : vector<1024x1024xf32>
    %jit3A_193 = arith.constant 1.024000e+03 : f32
    %broadcast_in_dim3A_194 = vector.shape_cast %convert_element_type3A_5 : vector<1024x1xf32> to vector<1024x1xf32>
    %broadcast_in_dim3A_195 = vector.broadcast %broadcast_in_dim3A_194 : vector<1024x1xf32> to vector<1024x1024xf32>
    %broadcast_in_dim3A_196 = vector.broadcast %jit3A_193 : f32 to vector<1024x1024xf32>
    %select_n3A_197 = arith.select %eq3A_192, %broadcast_in_dim3A_195, %broadcast_in_dim3A_196 : vector<1024x1024xi1>, vector<1024x1024xf32>
    %reduce_min3A_198 = arith.constant dense<0x7F800000> : vector<1024xf32>
    %reduce_min3A_199 = vector.multi_reduction <minimumf>, %select_n3A_197, %reduce_min3A_198 [0] : vector<1024x1024xf32> to vector<1024xf32>
    %convert_element_type3A_200 = arith.fptosi %reduce_min3A_199 : vector<1024xf32> to vector<1024xi32>
    %swap3A_201 = arith.constant 4 : index
    %swap3A_202 = arith.constant 0 : index
    %swap3A_203 = vector.load %arg3[%swap3A_201, %swap3A_202] : memref<8x1024xi32, #tpu.memory_space<vmem>>, vector<1x1024xi32>
    %swap3A_204 = vector.shape_cast %swap3A_203 : vector<1x1024xi32> to vector<1024xi32>
    %swap3A_205 = vector.shape_cast %convert_element_type3A_200 : vector<1024xi32> to vector<1x1024xi32>
    tpu.vector_store %arg3[%swap3A_201, %swap3A_202], %swap3A_205 {strides = array<i32>} : memref<8x1024xi32, #tpu.memory_space<vmem>>, vector<1x1024xi32>,
    %max3A_206 = arith.constant 0.000000e+00 : f32
    %max3A_207 = vector.broadcast %max3A_206 : f32 to vector<1x1024xf32>
    %max3A_208 = arith.maximumf %broadcast_in_dim3A_190, %max3A_207 : vector<1x1024xf32>
    %reduce_sum3A_209 = vector.shape_cast %max3A_208 : vector<1x1024xf32> to vector<1x1x1024xf32>
    %reduce_sum3A_210 = arith.constant dense<0.000000e+00> : vector<1xf32>
    %reduce_sum3A_211 = vector.multi_reduction <add>, %reduce_sum3A_209, %reduce_sum3A_210 [1, 2] : vector<1x1x1024xf32> to vector<1xf32>
    %reduce_sum3A_212 = vector.shape_cast %reduce_sum3A_211 : vector<1xf32> to vector<1x1x1xf32>
    %reduce_sum3A_213 = vector.extract %reduce_sum3A_212[0, 0, 0] : f32 from vector<1x1x1xf32>
    %broadcast_in_dim3A_214 = vector.broadcast %reduce_sum3A_213 : f32 to vector<1x1xf32>
    %add3A_215 = arith.addf %add3A_172, %broadcast_in_dim3A_214 : vector<1x1xf32>
    %get3A_216 = arith.constant 5 : index
    %get3A_217 = arith.constant 0 : index
    %get3A_218 = arith.constant 0 : index
    %get3A_219 = vector.load %arg1[%get3A_216, %get3A_217, %get3A_218] : memref<8x64x1024xf32, #tpu.memory_space<vmem>>, vector<1x64x1024xf32>
    %get3A_220 = vector.shape_cast %get3A_219 : vector<1x64x1024xf32> to vector<64x1024xf32>
    %mul3A_221 = arith.mulf %get3A_220, %get3A_220 : vector<64x1024xf32>
    %reduce_sum3A_222 = arith.constant dense<0.000000e+00> : vector<1024xf32>
    %reduce_sum3A_223 = vector.multi_reduction <add>, %mul3A_221, %reduce_sum3A_222 [0] : vector<64x1024xf32> to vector<1024xf32>
    %broadcast_in_dim3A_224 = vector.shape_cast %reduce_sum3A_223 : vector<1024xf32> to vector<1x1024xf32>
    %dot_general3A_225 = arith.constant dense<0.000000e+00> : vector<1024x1024xf32>
    %dot_general3A_226 = tpu.matmul %add3A, %get3A_220, %dot_general3A_225 {dimension_numbers = #tpu.dot_dimension_numbers<[1], [0], [0], [1], [0, 0, 1, 1], [], []>, transpose_lhs_hint = false} : vector<1024x64xf32>, vector<64x1024xf32>, vector<1024x1024xf32> -> vector<1024x1024xf32>
    %add3A_227 = vector.broadcast %broadcast_in_dim3A_224 : vector<1x1024xf32> to vector<1024x1024xf32>
    %add3A_228 = vector.broadcast %broadcast_in_dim3A : vector<1024x1xf32> to vector<1024x1024xf32>
    %add3A_229 = arith.addf %add3A_227, %add3A_228 : vector<1024x1024xf32>
    %sub3A_230 = arith.subf %add3A_229, %dot_general3A_226 : vector<1024x1024xf32>
    %reduce_min3A_231 = arith.constant dense<0x7F800000> : vector<1024xf32>
    %reduce_min3A_232 = vector.multi_reduction <minimumf>, %sub3A_230, %reduce_min3A_231 [0] : vector<1024x1024xf32> to vector<1024xf32>
    %broadcast_in_dim3A_233 = vector.shape_cast %reduce_min3A_232 : vector<1024xf32> to vector<1x1024xf32>
    %eq3A_234 = vector.broadcast %broadcast_in_dim3A_233 : vector<1x1024xf32> to vector<1024x1024xf32>
    %eq3A_235 = arith.cmpf oeq, %sub3A_230, %eq3A_234 : vector<1024x1024xf32>
    %jit3A_236 = arith.constant 1.024000e+03 : f32
    %broadcast_in_dim3A_237 = vector.shape_cast %convert_element_type3A_5 : vector<1024x1xf32> to vector<1024x1xf32>
    %broadcast_in_dim3A_238 = vector.broadcast %broadcast_in_dim3A_237 : vector<1024x1xf32> to vector<1024x1024xf32>
    %broadcast_in_dim3A_239 = vector.broadcast %jit3A_236 : f32 to vector<1024x1024xf32>
    %select_n3A_240 = arith.select %eq3A_235, %broadcast_in_dim3A_238, %broadcast_in_dim3A_239 : vector<1024x1024xi1>, vector<1024x1024xf32>
    %reduce_min3A_241 = arith.constant dense<0x7F800000> : vector<1024xf32>
    %reduce_min3A_242 = vector.multi_reduction <minimumf>, %select_n3A_240, %reduce_min3A_241 [0] : vector<1024x1024xf32> to vector<1024xf32>
    %convert_element_type3A_243 = arith.fptosi %reduce_min3A_242 : vector<1024xf32> to vector<1024xi32>
    %swap3A_244 = arith.constant 5 : index
    %swap3A_245 = arith.constant 0 : index
    %swap3A_246 = vector.load %arg3[%swap3A_244, %swap3A_245] : memref<8x1024xi32, #tpu.memory_space<vmem>>, vector<1x1024xi32>
    %swap3A_247 = vector.shape_cast %swap3A_246 : vector<1x1024xi32> to vector<1024xi32>
    %swap3A_248 = vector.shape_cast %convert_element_type3A_243 : vector<1024xi32> to vector<1x1024xi32>
    tpu.vector_store %arg3[%swap3A_244, %swap3A_245], %swap3A_248 {strides = array<i32>} : memref<8x1024xi32, #tpu.memory_space<vmem>>, vector<1x1024xi32>,
    %max3A_249 = arith.constant 0.000000e+00 : f32
    %max3A_250 = vector.broadcast %max3A_249 : f32 to vector<1x1024xf32>
    %max3A_251 = arith.maximumf %broadcast_in_dim3A_233, %max3A_250 : vector<1x1024xf32>
    %reduce_sum3A_252 = vector.shape_cast %max3A_251 : vector<1x1024xf32> to vector<1x1x1024xf32>
    %reduce_sum3A_253 = arith.constant dense<0.000000e+00> : vector<1xf32>
    %reduce_sum3A_254 = vector.multi_reduction <add>, %reduce_sum3A_252, %reduce_sum3A_253 [1, 2] : vector<1x1x1024xf32> to vector<1xf32>
    %reduce_sum3A_255 = vector.shape_cast %reduce_sum3A_254 : vector<1xf32> to vector<1x1x1xf32>
    %reduce_sum3A_256 = vector.extract %reduce_sum3A_255[0, 0, 0] : f32 from vector<1x1x1xf32>
    %broadcast_in_dim3A_257 = vector.broadcast %reduce_sum3A_256 : f32 to vector<1x1xf32>
    %add3A_258 = arith.addf %add3A_215, %broadcast_in_dim3A_257 : vector<1x1xf32>
    %get3A_259 = arith.constant 6 : index
    %get3A_260 = arith.constant 0 : index
    %get3A_261 = arith.constant 0 : index
    %get3A_262 = vector.load %arg1[%get3A_259, %get3A_260, %get3A_261] : memref<8x64x1024xf32, #tpu.memory_space<vmem>>, vector<1x64x1024xf32>
    %get3A_263 = vector.shape_cast %get3A_262 : vector<1x64x1024xf32> to vector<64x1024xf32>
    %mul3A_264 = arith.mulf %get3A_263, %get3A_263 : vector<64x1024xf32>
    %reduce_sum3A_265 = arith.constant dense<0.000000e+00> : vector<1024xf32>
    %reduce_sum3A_266 = vector.multi_reduction <add>, %mul3A_264, %reduce_sum3A_265 [0] : vector<64x1024xf32> to vector<1024xf32>
    %broadcast_in_dim3A_267 = vector.shape_cast %reduce_sum3A_266 : vector<1024xf32> to vector<1x1024xf32>
    %dot_general3A_268 = arith.constant dense<0.000000e+00> : vector<1024x1024xf32>
    %dot_general3A_269 = tpu.matmul %add3A, %get3A_263, %dot_general3A_268 {dimension_numbers = #tpu.dot_dimension_numbers<[1], [0], [0], [1], [0, 0, 1, 1], [], []>, transpose_lhs_hint = false} : vector<1024x64xf32>, vector<64x1024xf32>, vector<1024x1024xf32> -> vector<1024x1024xf32>
    %add3A_270 = vector.broadcast %broadcast_in_dim3A_267 : vector<1x1024xf32> to vector<1024x1024xf32>
    %add3A_271 = vector.broadcast %broadcast_in_dim3A : vector<1024x1xf32> to vector<1024x1024xf32>
    %add3A_272 = arith.addf %add3A_270, %add3A_271 : vector<1024x1024xf32>
    %sub3A_273 = arith.subf %add3A_272, %dot_general3A_269 : vector<1024x1024xf32>
    %reduce_min3A_274 = arith.constant dense<0x7F800000> : vector<1024xf32>
    %reduce_min3A_275 = vector.multi_reduction <minimumf>, %sub3A_273, %reduce_min3A_274 [0] : vector<1024x1024xf32> to vector<1024xf32>
    %broadcast_in_dim3A_276 = vector.shape_cast %reduce_min3A_275 : vector<1024xf32> to vector<1x1024xf32>
    %eq3A_277 = vector.broadcast %broadcast_in_dim3A_276 : vector<1x1024xf32> to vector<1024x1024xf32>
    %eq3A_278 = arith.cmpf oeq, %sub3A_273, %eq3A_277 : vector<1024x1024xf32>
    %jit3A_279 = arith.constant 1.024000e+03 : f32
    %broadcast_in_dim3A_280 = vector.shape_cast %convert_element_type3A_5 : vector<1024x1xf32> to vector<1024x1xf32>
    %broadcast_in_dim3A_281 = vector.broadcast %broadcast_in_dim3A_280 : vector<1024x1xf32> to vector<1024x1024xf32>
    %broadcast_in_dim3A_282 = vector.broadcast %jit3A_279 : f32 to vector<1024x1024xf32>
    %select_n3A_283 = arith.select %eq3A_278, %broadcast_in_dim3A_281, %broadcast_in_dim3A_282 : vector<1024x1024xi1>, vector<1024x1024xf32>
    %reduce_min3A_284 = arith.constant dense<0x7F800000> : vector<1024xf32>
    %reduce_min3A_285 = vector.multi_reduction <minimumf>, %select_n3A_283, %reduce_min3A_284 [0] : vector<1024x1024xf32> to vector<1024xf32>
    %convert_element_type3A_286 = arith.fptosi %reduce_min3A_285 : vector<1024xf32> to vector<1024xi32>
    %swap3A_287 = arith.constant 6 : index
    %swap3A_288 = arith.constant 0 : index
    %swap3A_289 = vector.load %arg3[%swap3A_287, %swap3A_288] : memref<8x1024xi32, #tpu.memory_space<vmem>>, vector<1x1024xi32>
    %swap3A_290 = vector.shape_cast %swap3A_289 : vector<1x1024xi32> to vector<1024xi32>
    %swap3A_291 = vector.shape_cast %convert_element_type3A_286 : vector<1024xi32> to vector<1x1024xi32>
    tpu.vector_store %arg3[%swap3A_287, %swap3A_288], %swap3A_291 {strides = array<i32>} : memref<8x1024xi32, #tpu.memory_space<vmem>>, vector<1x1024xi32>,
    %max3A_292 = arith.constant 0.000000e+00 : f32
    %max3A_293 = vector.broadcast %max3A_292 : f32 to vector<1x1024xf32>
    %max3A_294 = arith.maximumf %broadcast_in_dim3A_276, %max3A_293 : vector<1x1024xf32>
    %reduce_sum3A_295 = vector.shape_cast %max3A_294 : vector<1x1024xf32> to vector<1x1x1024xf32>
    %reduce_sum3A_296 = arith.constant dense<0.000000e+00> : vector<1xf32>
    %reduce_sum3A_297 = vector.multi_reduction <add>, %reduce_sum3A_295, %reduce_sum3A_296 [1, 2] : vector<1x1x1024xf32> to vector<1xf32>
    %reduce_sum3A_298 = vector.shape_cast %reduce_sum3A_297 : vector<1xf32> to vector<1x1x1xf32>
    %reduce_sum3A_299 = vector.extract %reduce_sum3A_298[0, 0, 0] : f32 from vector<1x1x1xf32>
    %broadcast_in_dim3A_300 = vector.broadcast %reduce_sum3A_299 : f32 to vector<1x1xf32>
    %add3A_301 = arith.addf %add3A_258, %broadcast_in_dim3A_300 : vector<1x1xf32>
    %get3A_302 = arith.constant 7 : index
    %get3A_303 = arith.constant 0 : index
    %get3A_304 = arith.constant 0 : index
    %get3A_305 = vector.load %arg1[%get3A_302, %get3A_303, %get3A_304] : memref<8x64x1024xf32, #tpu.memory_space<vmem>>, vector<1x64x1024xf32>
    %get3A_306 = vector.shape_cast %get3A_305 : vector<1x64x1024xf32> to vector<64x1024xf32>
    %mul3A_307 = arith.mulf %get3A_306, %get3A_306 : vector<64x1024xf32>
    %reduce_sum3A_308 = arith.constant dense<0.000000e+00> : vector<1024xf32>
    %reduce_sum3A_309 = vector.multi_reduction <add>, %mul3A_307, %reduce_sum3A_308 [0] : vector<64x1024xf32> to vector<1024xf32>
    %broadcast_in_dim3A_310 = vector.shape_cast %reduce_sum3A_309 : vector<1024xf32> to vector<1x1024xf32>
    %dot_general3A_311 = arith.constant dense<0.000000e+00> : vector<1024x1024xf32>
    %dot_general3A_312 = tpu.matmul %add3A, %get3A_306, %dot_general3A_311 {dimension_numbers = #tpu.dot_dimension_numbers<[1], [0], [0], [1], [0, 0, 1, 1], [], []>, transpose_lhs_hint = false} : vector<1024x64xf32>, vector<64x1024xf32>, vector<1024x1024xf32> -> vector<1024x1024xf32>
    %add3A_313 = vector.broadcast %broadcast_in_dim3A_310 : vector<1x1024xf32> to vector<1024x1024xf32>
    %add3A_314 = vector.broadcast %broadcast_in_dim3A : vector<1024x1xf32> to vector<1024x1024xf32>
    %add3A_315 = arith.addf %add3A_313, %add3A_314 : vector<1024x1024xf32>
    %sub3A_316 = arith.subf %add3A_315, %dot_general3A_312 : vector<1024x1024xf32>
    %reduce_min3A_317 = arith.constant dense<0x7F800000> : vector<1024xf32>
    %reduce_min3A_318 = vector.multi_reduction <minimumf>, %sub3A_316, %reduce_min3A_317 [0] : vector<1024x1024xf32> to vector<1024xf32>
    %broadcast_in_dim3A_319 = vector.shape_cast %reduce_min3A_318 : vector<1024xf32> to vector<1x1024xf32>
    %eq3A_320 = vector.broadcast %broadcast_in_dim3A_319 : vector<1x1024xf32> to vector<1024x1024xf32>
    %eq3A_321 = arith.cmpf oeq, %sub3A_316, %eq3A_320 : vector<1024x1024xf32>
    %jit3A_322 = arith.constant 1.024000e+03 : f32
    %broadcast_in_dim3A_323 = vector.shape_cast %convert_element_type3A_5 : vector<1024x1xf32> to vector<1024x1xf32>
    %broadcast_in_dim3A_324 = vector.broadcast %broadcast_in_dim3A_323 : vector<1024x1xf32> to vector<1024x1024xf32>
    %broadcast_in_dim3A_325 = vector.broadcast %jit3A_322 : f32 to vector<1024x1024xf32>
    %select_n3A_326 = arith.select %eq3A_321, %broadcast_in_dim3A_324, %broadcast_in_dim3A_325 : vector<1024x1024xi1>, vector<1024x1024xf32>
    %reduce_min3A_327 = arith.constant dense<0x7F800000> : vector<1024xf32>
    %reduce_min3A_328 = vector.multi_reduction <minimumf>, %select_n3A_326, %reduce_min3A_327 [0] : vector<1024x1024xf32> to vector<1024xf32>
    %convert_element_type3A_329 = arith.fptosi %reduce_min3A_328 : vector<1024xf32> to vector<1024xi32>
    %swap3A_330 = arith.constant 7 : index
    %swap3A_331 = arith.constant 0 : index
    %swap3A_332 = vector.load %arg3[%swap3A_330, %swap3A_331] : memref<8x1024xi32, #tpu.memory_space<vmem>>, vector<1x1024xi32>
    %swap3A_333 = vector.shape_cast %swap3A_332 : vector<1x1024xi32> to vector<1024xi32>
    %swap3A_334 = vector.shape_cast %convert_element_type3A_329 : vector<1024xi32> to vector<1x1024xi32>
    tpu.vector_store %arg3[%swap3A_330, %swap3A_331], %swap3A_334 {strides = array<i32>} : memref<8x1024xi32, #tpu.memory_space<vmem>>, vector<1x1024xi32>,
    %max3A_335 = arith.constant 0.000000e+00 : f32
    %max3A_336 = vector.broadcast %max3A_335 : f32 to vector<1x1024xf32>
    %max3A_337 = arith.maximumf %broadcast_in_dim3A_319, %max3A_336 : vector<1x1024xf32>
    %reduce_sum3A_338 = vector.shape_cast %max3A_337 : vector<1x1024xf32> to vector<1x1x1024xf32>
    %reduce_sum3A_339 = arith.constant dense<0.000000e+00> : vector<1xf32>
    %reduce_sum3A_340 = vector.multi_reduction <add>, %reduce_sum3A_338, %reduce_sum3A_339 [1, 2] : vector<1x1x1024xf32> to vector<1xf32>
    %reduce_sum3A_341 = vector.shape_cast %reduce_sum3A_340 : vector<1xf32> to vector<1x1x1xf32>
    %reduce_sum3A_342 = vector.extract %reduce_sum3A_341[0, 0, 0] : f32 from vector<1x1x1xf32>
    %broadcast_in_dim3A_343 = vector.broadcast %reduce_sum3A_342 : f32 to vector<1x1xf32>
    %add3A_344 = arith.addf %add3A_301, %broadcast_in_dim3A_343 : vector<1x1xf32>
    %get3A_345 = arith.constant 0 : index
    %get3A_346 = arith.constant 0 : index
    %get3A_347 = vector.load %arg4[%get3A_345, %get3A_346] : memref<1x1xf32, #tpu.memory_space<vmem>>, vector<1x1xf32>
    %add3A_348 = arith.addf %get3A_347, %add3A_344 : vector<1x1xf32>
    %swap3A_349 = arith.constant 0 : index
    %swap3A_350 = arith.constant 0 : index
    %swap3A_351 = vector.load %arg4[%swap3A_349, %swap3A_350] : memref<1x1xf32, #tpu.memory_space<vmem>>, vector<1x1xf32>
    tpu.vector_store %arg4[%swap3A_349, %swap3A_350], %add3A_348 {strides = array<i32>} : memref<1x1xf32, #tpu.memory_space<vmem>>, vector<1x1xf32>,
    %eq3A_352 = arith.constant 1 : i32
    %eq3A_353 = arith.cmpi eq, %arg0, %eq3A_352 : i32
    %convert_element_type3A_354 = arith.extui %eq3A_353 : i1 to i32
    %cond3A_355 = arith.constant 0 : i32
    %cond3A_356 = arith.cmpi ne, %convert_element_type3A_354, %cond3A_355 : i32
    scf.if %cond3A_356 {
      %get3A_357 = arith.constant 0 : index
      %get3A_358 = arith.constant 0 : index
      %get3A_359 = vector.load %arg4[%get3A_357, %get3A_358] : memref<1x1xf32, #tpu.memory_space<vmem>>, vector<1x1xf32>
      %mul3A_360 = arith.constant 9.53674316E-7 : f32
      %mul3A_361 = vector.broadcast %mul3A_360 : f32 to vector<1x1xf32>
      %mul3A_362 = arith.mulf %get3A_359, %mul3A_361 : vector<1x1xf32>
      %mul3A_363 = arith.constant 2.500000e-01 : f32
      %mul3A_364 = vector.broadcast %mul3A_363 : f32 to vector<1x1xf32>
      %mul3A_365 = arith.mulf %mul3A_364, %mul3A_362 : vector<1x1xf32>
      %add3A_366 = arith.addf %mul3A_362, %mul3A_365 : vector<1x1xf32>
      %swap3A_367 = arith.constant 0 : index
      %swap3A_368 = arith.constant 0 : index
      %swap3A_369 = vector.load %arg4[%swap3A_367, %swap3A_368] : memref<1x1xf32, #tpu.memory_space<vmem>>, vector<1x1xf32>
      tpu.vector_store %arg4[%swap3A_367, %swap3A_368], %add3A_366 {strides = array<i32>} : memref<1x1xf32, #tpu.memory_space<vmem>>, vector<1x1xf32>,
    } else {
    }
    return
  }
  func.func @transform_0(%arg0: i32) -> (i32, i32, i32) {
    %c0_i32 = arith.constant 0 : i32
    %c0_i32_0 = arith.constant 0 : i32
    %c0_i32_1 = arith.constant 0 : i32
    return %arg0, %c0_i32, %c0_i32_0 : i32, i32, i32
  }
  func.func @transform_1(%arg0: i32) -> (i32, i32) {
    %c0_i32 = arith.constant 0 : i32
    %c0_i32_0 = arith.constant 0 : i32
    %c0_i32_1 = arith.constant 0 : i32
    return %c0_i32, %c0_i32_0 : i32, i32
  }
  func.func @transform_2(%arg0: i32) -> (i32, i32) {
    %c0_i32 = arith.constant 0 : i32
    %c0_i32_0 = arith.constant 0 : i32
    return %arg0, %c0_i32 : i32, i32
  }
  func.func @transform_3(%arg0: i32) -> (i32, i32) {
    %c0_i32 = arith.constant 0 : i32
    %c0_i32_0 = arith.constant 0 : i32
    %c0_i32_1 = arith.constant 0 : i32
    return %c0_i32, %c0_i32_0 : i32, i32
  }
}

</mosaic_0001>

<sc_bundles>
// kernel: kernel.5.cloned.1.call-start
scs
__scs_entry_jumppad:
0x0: {  	(pc) =	sbr.rel $0x88, $3  }
0x1: {  	(tag) =	ssettag $0x0;
	lr =	simm.s32 $0x1  }
0x2: {  	[smem:$0x3F9F] =	sst lr;
	_ =	strace $0xD0000000  }
0x3: {  	_ = 	snop  }
0x4: {  	_ = 	snop  }
0x5: {  	_ = 	snop  }
0x6: {  	_ = 	snop  }
0x7: {  	_ = 	snop  }
__scs_overlays_trampoline_lowered:
0x8: {  	[smem:$0x3FAE] =	sst s0  }
0x9: {  	[smem:$0x3FAF] =	sst s1  }
0xa: {  	[smem:$0x3FB0] =	sst s2  }
0xb: {  	[smem:$0x3FB1] =	sst s3  }
0xc: {  	[smem:$0x3FB2] =	sst s4  }
0xd: {  	[smem:$0x3FB3] =	sst s5  }
0xe: {  	[smem:$0x3FB4] =	sst s6  }
0xf: {  	[smem:$0x3FB5] =	sst s7  }
0x10: {  	[smem:$0x3FB6] =	sst s8  }
0x11: {  	[smem:$0x3FB7] =	sst s9;
	s0 =	simm.s32 @!p0 $0x0  }
0x12: {  	s1 =	sld [smem:$0x3F9D];
	s0 =	simm.s32 @p0 $0x1  }
0x13: {  	[smem:$0x3FB8] =	sst s0;
	s0 =	simm.s32 @!p1 $0x0  }
0x14: {  	s2 =	sld [smem:$0x3F9C];
	s0 =	simm.s32 @p1 $0x1  }
0x15: {  	[smem:$0x3FB9] =	sst s0;
	s0 =	simm.s32 @!p2 $0x0  }
0x16: {  	s3 =	sld [smem:$0x3FDB];
	s0 =	simm.s32 @p2 $0x1  }
0x17: {  	s4 =	simm.s32 $0x1BF5;
	[smem:$0x3FBB] =	sst s0  }
0x18: {  	s0 =	sld [smem:$0x3F9E];
	_ =	swait.ge [sflag:s4], $0x0  }
0x19: {  	s7 =	sld [smem:$0x3F9F]  }
0x1a: {  	s8 =	sadd.s32 $0xFFFFE003, lr  }
0x1b: {  	s9 =	sadd.s32 $0xFFFFFEF7, lr;
	s5 =	simm.s32 $0xFFFFFFFF;
	p2 =	slt.u32 s8, $0xFFFFF086  }
0x1c: {  	p1 =	slt.u32 s9, $0xF7A;
	s5 =	simm.s32 @!p2 $0x0  }
0x1d: {  	s5 =	simm.s32 @p1 $0x1;
	p0 =	seq.s32 s7, s2  }
0x1e: {  	s7 =	smul.u32 @!p0 $0xF7A, s2;
	p2 =	seq.s32 @!p0 s5, $0x0  }
0x1f: {  	s9 =	smul.u32 $0xF7A, s1;
	s8 =	simm.s32 @!p0 $0x1BF5;
	p2 =	por !p2, p0  }
0x20: {  	[sflag:s8] =	ssyncset.s32 @!p0 $0xFFFFF086;
	s6 =	sadd.s32 @!p0 s3, s7;
	s7 =	simm.s32 @!p0 $0x108  }
0x21: {  	s3 =	sadd.s32 s3, s9;
	s6 =	sadd.s32 @!p0 $0x88, s6;
	s7 =	simm.s32 @p2 $0x1082  }
0x22: {  	[simem:s7], [sflag:s8] =	dma.local @!p0 [hbm:s6], $0xF7A  }
0x23: {  	s9 =	sor.u32 $0xD0000000, s2;
	s6 =	simm.s32 $0x108;
	_ =	swait.ge @!p0 [sflag:s8], $0x0  }
0x24: {  	s3 =	sadd.s32 $0x88, s3;
	s6 =	simm.s32 @!p1 $0x1082;
	[sflag:s4] =	ssyncset.s32 $0xFFFFF086  }
0x25: {  	[simem:s6], [sflag:s4] =	dma.local [hbm:s3], $0xF7A  }
0x26: {  	[smem:$0x3F9F] =	sst s1;
	(tag) =	ssettag s2;
	_ =	strace s9  }
0x27: {  	s1 =	sld [smem:$0x3FAF]  }
0x28: {  	s2 =	sld [smem:$0x3FB0]  }
0x29: {  	s4 =	sld [smem:$0x3FB2]  }
0x2a: {  	p0 =	seq.s32 s5, $0x0;
	s5 =	sld [smem:$0x3FB3]  }
0x2b: {  	s6 =	sld [smem:$0x3FB4]  }
0x2c: {  	s7 =	sld [smem:$0x3FB5]  }
0x2d: {  	s3 =	simm.s32 $0x108;
	s8 =	sld [smem:$0x3FB6]  }
0x2e: {  	s3 =	simm.s32 @!p0 $0x1082;
	s9 =	sld [smem:$0x3FB7]  }
0x2f: {  	lr =	sadd.s32 s0, s3;
	s0 =	sld [smem:$0x3FAE]  }
0x30: {  	s3 =	sld [smem:$0x3FB1]  }
0x31: {  	[smem:$0x3FBA] =	sst s10  }
0x32: {  	s10 =	sld [smem:$0x3FB8];
	_ =	sdelay $0x3  }
0x33: {  	p0 =	seq.s32 s10, $0x1;
	s10 =	sld [smem:$0x3FBA];
	_ =	sdelay $0x3  }
0x34: {  	[smem:$0x3FBA] =	sst s10  }
0x35: {  	s10 =	sld [smem:$0x3FB9];
	_ =	sdelay $0x3  }
0x36: {  	p1 =	seq.s32 s10, $0x1;
	s10 =	sld [smem:$0x3FBA];
	_ =	sdelay $0x3  }
0x37: {  	[smem:$0x3FBA] =	sst s10  }
0x38: {  	s10 =	sld [smem:$0x3FBB]  }
0x39: {  	_ = 	snop;
	(pc) =	sbr.ind lr, $3  }
0x3a: {  	_ = 	snop  }
0x3b: {  	_ = 	snop  }
0x3c: {  	p2 =	seq.s32 s10, $0x1;
	s10 =	sld [smem:$0x3FBA]  }
0x3d: {  	_ =	shalt  }
0x3e: {  	_ =	shalt  }
0x3f: {  	_ =	shalt  }
0x40: {  	_ =	shalt  }
0x41: {  	_ =	shalt  }
0x42: {  	_ =	shalt  }
0x43: {  	_ =	shalt  }
0x44: {  	_ =	shalt  }
0x45: {  	_ =	shalt  }
0x46: {  	_ =	shalt  }
0x47: {  	_ =	shalt  }
0x48: {  	_ =	shalt  }
0x49: {  	_ =	shalt  }
0x4a: {  	_ =	shalt  }
0x4b: {  	_ =	shalt  }
0x4c: {  	_ =	shalt  }
0x4d: {  	_ =	shalt  }
0x4e: {  	_ =	shalt  }
0x4f: {  	_ =	shalt  }
0x50: {  	_ =	shalt  }
0x51: {  	_ =	shalt  }
0x52: {  	_ =	shalt  }
0x53: {  	_ =	shalt  }
0x54: {  	_ =	shalt  }
0x55: {  	_ =	shalt  }
0x56: {  	_ =	shalt  }
0x57: {  	_ =	shalt  }
0x58: {  	_ =	shalt  }
0x59: {  	_ =	shalt  }
0x5a: {  	_ =	shalt  }
0x5b: {  	_ =	shalt  }
0x5c: {  	_ =	shalt  }
0x5d: {  	_ =	shalt  }
0x5e: {  	_ =	shalt  }
0x5f: {  	_ =	shalt  }
0x60: {  	_ =	shalt  }
0x61: {  	_ =	shalt  }
0x62: {  	_ =	shalt  }
0x63: {  	_ =	shalt  }
0x64: {  	_ =	shalt  }
0x65: {  	_ =	shalt  }
0x66: {  	_ =	shalt  }
0x67: {  	_ =	shalt  }
0x68: {  	_ =	shalt  }
0x69: {  	_ =	shalt  }
0x6a: {  	_ =	shalt  }
0x6b: {  	_ =	shalt  }
0x6c: {  	_ =	shalt  }
0x6d: {  	_ =	shalt  }
0x6e: {  	_ =	shalt  }
0x6f: {  	_ =	shalt  }
0x70: {  	_ =	shalt  }
0x71: {  	_ =	shalt  }
0x72: {  	_ =	shalt  }
0x73: {  	_ =	shalt  }
0x74: {  	_ =	shalt  }
0x75: {  	_ =	shalt  }
0x76: {  	_ =	shalt  }
0x77: {  	_ =	shalt  }
0x78: {  	_ =	shalt  }
0x79: {  	_ =	shalt  }
0x7a: {  	_ =	shalt  }
0x7b: {  	_ =	shalt  }
0x7c: {  	_ =	shalt  }
0x7d: {  	_ =	shalt  }
0x7e: {  	_ =	shalt  }
0x7f: {  	_ =	shalt  }
0x80: {  	_ =	shalt  }
0x81: {  	_ =	shalt  }
0x82: {  	_ =	shalt  }
0x83: {  	_ =	shalt  }
0x84: {  	_ =	shalt  }
0x85: {  	_ =	shalt  }
0x86: {  	_ =	shalt  }
0x87: {  	_ =	shalt  }
.Lfunc_end0:
.L_simem_size_0:
called_computation_lowered:
.L_overlay_start_0:
0x88: {  	s2 =	sld [smem:$0x3FD9]  }
0x89: {  	s3 =	sld [smem:$0x3FFE];
	_ =	sdelay $0x1  }
0x8a: {  	s1 =	srdreg.scid  }
0x8b: {  	s0 =	sand.u32 $0x1, s1  }
0x8c: {  	s14 =	sshll.u32 s0, $0xA;
	s2 =	sadd.s32 s3, s2  }
0x8d: {  	s2 =	sadd.s32 s2, s14  }
0x8e: {  	[smem:$0x3FC6] =	sst s2  }
0x8f: {  	_ = 	snop  }
0x90: {  	s2 =	sld [smem:$0x3FD0];
	_ =	sdelay $0x2  }
0x91: {  	s15 =	simm.s32 $0xA;
	s4 =	simm.s32 $0x10  }
0x92: {  	[smem:s4], [sflag:s15] =	dma.local [hbm:s2], $0x1  }
0x93: {  	_ =	swait.eq [sflag:s15], $0x1  }
0x94: {  	[sflag:s15] =	ssyncset.done $0x0  }
0x95: {  	[sflag:s15] =	ssyncadd.s32 $0xFFFFFFFF  }
0x96: {  	s16 =	sld [smem:$0x10];
	(tm) =	ssettm $0x1  }
0x97: {  	s17 =	sld [smem:$0x3FFB];
	_ =	sdelay $0x3  }
0x98: {  	_ =	strace s17  }
0x99: {  	s3 =	sld [smem:$0x3FFC];
	_ =	sdelay $0x3  }
0x9a: {  	_ =	strace s3  }
0x9b: {  	s3 =	sld [smem:$0x3FFD];
	_ =	sdelay $0x3  }
0x9c: {  	_ =	strace s3  }
0x9d: {  	_ =	strace $0x8FFFFFFF  }
0x9e: {  	s18 =	sld [smem:$0x3FDB];
	_ =	sdelay $0x1  }
0x9f: {  	s19 =	simm.s32 $_scs_section_size  }
0xa0: {  	s5 =	simm.s32 $_size__tile_overlayer_lowered;
	s6 =	simm.s32 $_tile_overlayer_lowered  }
0xa1: {  	s22 =	simm.s32 $0x1BFF;
	s21 =	sshll.u32 s6, $0x1;
	s3 =	sadd.s32 s19, s18  }
0xa2: {  	s7 =	simm.s32 $0x0;
	s20 =	sshll.u32 s5, $0x1;
	s5 =	sadd.s32 s21, s3  }
0xa3: {  	[timem:s7], [sflag:s22] =	dma.local [hbm:s5], s20  }
0xa4: {  	_ =	swait.ge [sflag:s22], s20  }
0xa5: {  	s4 =	ssub.s32 $0x0, s20;
	[sflag:s22] =	ssyncset.done $0x0  }
0xa6: {  	[sflag:s22] =	ssyncadd.s32 s4;
	_ =	sdelay $0x1  }
0xa7: {  	s23 =	simm.s32 $0x1B8B  }
0xa8: {  	_ =	swait.ge [sflag:s23], $0x1  }
0xa9: {  	[sflag:s23] =	ssyncset.done $0x0  }
0xaa: {  	s25 =	simm.s32 $0x1B8E;
	s24 =	sld [smem:$0x3FFE];
	[sflag:s23] =	ssyncadd.s32 $0xFFFFFFFF  }
0xab: {  	s26 =	simm.s32 $execute0_lowered;
	[smem:$0x3FD2] =	sst s25  }
0xac: {  	s5 =	sshll.u32 s26, $0x1;
	_ =	strace $0x80000046;
	[dreg:$0x1] =	wrdreg $0xFFFFFFFF  }
0xad: {  	s28 =	simm.s32 $_size_execute0_lowered;
	s3 =	sadd.s32 s3, s5;
	[dreg:$0x0] =	wrdreg $0x0  }
0xae: {  	s5 =	sshll.u32 s28, $0x1;
	[dreg:$0x2] =	wrdreg s3  }
0xaf: {  	[dreg:$0x3] =	wrdreg s5  }
0xb0: {  	[dreg:$0x4] =	wrdreg $0xC0  }
0xb1: {  	_ =	task [dreg:s7], $0x5FFFF  }
0xb2: {  	[dreg:$0x1] =	wrdreg $0xFFFFFFFF  }
0xb3: {  	[dreg:$0x0] =	wrdreg $0x60  }
0xb4: {  	[dreg:$0x2] =	wrdreg s16  }
0xb5: {  	[dreg:$0x3] =	wrdreg s24  }
0xb6: {  	[dreg:$0x4] =	wrdreg $0x9  }
0xb7: {  	_ =	task.clear_ibuf [dreg:s7], $0x5FFFF;
	_ =	strace $0x90000046  }
0xb8: {  	s29 =	simm.s32 $0x9;
	_ =	strace $0x80000048  }
0xb9: {  	_ =	swait.ge [sflag:s29], $0x1  }
0xba: {  	[sflag:s29] =	ssyncadd.s32 $0xFFFFFFFF  }
0xbb: {  	_ =	strace $0x90000048  }
0xbc: {  	_ =	sfence  }
0xbd: {  	s30 =	sld [smem:$0x0];
	_ =	sdelay $0x2  }
0xbe: {  	s31 =	sshll.u32 s1, $0xD;
	s1 =	sshrl.u32 s1, $0x2  }
0xbf: {  	s3 =	sand.u32 $0x4000, s31;
	s1 =	sadd.s32 s1, s30  }
0xc0: {  	s0 =	sor.u32 s3, s0;
	s1 =	sshll.u32 s1, $0x11  }
0xc1: {  	s0 =	sor.u32 s1, s0  }
0xc2: {  	s0 =	sadd.s32 $0x8F2B, s0  }
0xc3: {  	[sflag:s0] =	ssyncadd.remote.s32 $0x1  }
0xc4: {  	_ =	sfence.sel $0xFFFF  }
0xc5: {  	[dreg:$0x0] =	wrdreg $0xFFFFFFFF;
	(pc) =	sbr.abs _section_cstart, $3  }
0xc6: {  	[dreg:$0x1] =	wrdreg $0xFFFFFFFF  }
0xc7: {  	_ =	task.clear_ibuf [dreg:s7], $0x2FFFF;
	_ =	strace $0x9FFFFFFF  }
0xc8: {  	(tm) =	ssettm $0x7FFFFFFF  }
0xc9: {  	_ =	shalt  }
tec
execute0_lowered:
.L_overlay_start_1:
0x0: {  	(tag) =	ssettag $0x1  }
0x1: {  	s1 =	srdreg.scid  }
0x2: {  	s0 =	stileid.u32;
	s6 =	sand.u32 $0x1, s1  }
0x3: {  	s2 =	rddreg [dreg:$0x0];
	s30 =	sshll.u32 s0, $0xA;
	s3 =	sshll.u32 s6, $0x9  }
0x4: {  	s8 =	rddreg [dreg:$0x1];
	s7 =	simm.s32 $0x1;
	s9 =	sor.u32 s3, s30  }
0x5: {  	s1 =	rddreg [dreg:$0x2];
	s3 =	simm.s32 $0x0;
	s4 =	sshrl.u32 s9, $0x3  }
0x6: {  	s10 =	ssub.s32 $0x2, s6;
	[smem:$0x7FF] =	sst s3;
	s4 =	sadd.s32 s4, s8  }
0x7: {  	_ =	strace $0x80000047;
	s5 =	sadd.s32 $0xA00, s4;
	s4 =	simm.s32 $0x2  }
0x8: {  	[tilespmem:s3], [sflag:$0x2] =	stream.linear.gather [hbm4b:s5+s3], $0x200, $0x38;
	[tilespmem:$0x10200] =	vst v63  }
0x9: {  	s6 =	simm.s32 $0x200;
	s11 =	sshrl.u32 s10, $0x1;
	_ =	swait.ge [sflag:s4], $0x200  }
0xa: {  	s9 =	sshll.u32 s9, $0x4;
	s31 =	ssub.s32 s10, s11;
	[sflag:s4] =	ssyncset.done $0x0  }
0xb: {  	s8 =	sadd.s32 s9, s8;
	s9 =	smax.u32 s31, $0x1;
	[sflag:s4] =	ssyncadd.s32 $0xFFFFFE00  }
0xc: {  	[tilespmem:s6], [sflag:$0x1] =	stream.indirect.gather [hbm4b:s2+s6], $0x80, s3, s6, $0xb8;
	[tilespmem:$0x10200] =	vst v63  }
0xd: {  	p0 =	sne.s32 s9, $0x1;
	_ =	swait.ge [sflag:s7], $0x10000  }
.Ltmp0:
0xe: {  	[sflag:s7] =	ssyncset.done $0x0;
	(pc) =	sbr.rel @!p0 .LBB2_2-.Ltmp0, $4  }
0xf: {  	s8 =	sadd.s32 $0x1200, s8;
	[sflag:s7] =	ssyncadd.s32 $0xFFFF0000  }
0x10: {  	[hbm4b:s8+s3] =	stream.linear.scatter [tilespmem:s6], [sflag:$0x2], $0x10000, $0x38;
	[tilespmem:$0x10200] =	vst v63  }
0x11: {  	_ =	swait.ge [sflag:s4], $0x10000  }
0x12: {  	s9 =	sadd.s32 $0xFFFFFFFF, s9;
	[sflag:s4] =	ssyncset.done $0x0  }
.LBB2_1:
0x13: {  	p0 =	sne.s32 s9, $0x1;
	s9 =	sadd.s32 $0xFFFFFFFF, s9;
	[sflag:s4] =	ssyncadd.s32 $0xFFFF0000  }
0x14: {  	[tilespmem:s3], [sflag:$0x2] =	stream.linear.gather [hbm4b:s5+s3], $0x200, $0x38;
	[tilespmem:$0x10200] =	vst v63  }
0x15: {  	_ =	swait.ge [sflag:s4], $0x200  }
0x16: {  	[sflag:s4] =	ssyncset.done $0x0  }
0x17: {  	[sflag:s4] =	ssyncadd.s32 $0xFFFFFE00  }
0x18: {  	[tilespmem:s6], [sflag:$0x1] =	stream.indirect.gather [hbm4b:s2+s6], $0x80, s3, s6, $0xb8;
	[tilespmem:$0x10200] =	vst v63  }
0x19: {  	_ =	swait.ge [sflag:s7], $0x10000  }
.Ltmp1:
0x1a: {  	[sflag:s7] =	ssyncset.done $0x0;
	(pc) =	sbr.rel @p0 .LBB2_1-.Ltmp1, $4  }
0x1b: {  	[sflag:s7] =	ssyncadd.s32 $0xFFFF0000  }
0x1c: {  	[hbm4b:s8+s3] =	stream.linear.scatter [tilespmem:s6], [sflag:$0x2], $0x10000, $0x38;
	[tilespmem:$0x10200] =	vst v63  }
0x1d: {  	_ =	swait.ge [sflag:s4], $0x10000  }
0x1e: {  	[sflag:s4] =	ssyncset.done $0x0  }
.LBB2_2:
0x1f: {  	[sflag:s4] =	ssyncadd.s32 $0xFFFF0000  }
0x20: {  	_ =	sfence.sel $0x180000  }
0x21: {  	[bflag:$0x0] =	sbarrier.arrive $0xFFFF  }
0x22: {  	p0 =	sne.s32 s0, $0x0;
	_ =	strace $0x90000047  }
0x23: {  	s0 =	sadd.s32 @!p0 $0x100000, s1;
	[bflag:$0x2] =	sbarrier.arrive $0xFFFF  }
0x24: {  	[sflag:s0] =	ssyncadd.tile.s32 @!p0 $0x1;
	_ =	shalt  }
.Lfunc_end2:
_tile_overlayer_lowered:
.L_overlay_start_2:
0x25: {  	(tag) =	ssettag $0x2  }
0x26: {  	s0 =	rddreg [dreg:$0x0];
	s2 =	stileid.u32  }
0x27: {  	s1 =	rddreg [dreg:$0x1];
	p0 =	sne.s32 s2, $0x0  }
0x28: {  	s3 =	rddreg [dreg:$0x2];
	[bflag:$0x3] =	sbarrier.arrive $0xFFFF;
	s2 =	simm.s32 @!p0 $0x1C02  }
0x29: {  	[timem:s3], [sflag:s2] =	dma.local @!p0 [hbm:s0], s1  }
0x2a: {  	s0 =	simm.s32 @!p0 $0x2  }
0x2b: {  	_ =	swait.ge @!p0 [sflag:s0], s1  }
0x2c: {  	s1 =	ssub.s32 @!p0 $0x0, s1;
	[sflag:s0] =	ssyncset.done @!p0 $0x0  }
0x2d: {  	[sflag:s0] =	ssyncadd.s32 @!p0 s1  }
0x2e: {  	[bflag:$0x3] =	sbarrier.arrive $0xFFFF  }
0x2f: {  	_ =	shalt  }

</sc_bundles>
